<compile_context>
chip_gen: v7x
topology: tpu7x:2x2x1
jax: 0.10.2.dev20260603
libtpu: 0.0.44.dev20260713+nightly
codegen_flags: <defaults>
</compile_context>

<pallas_src>
import functools

import jax
import jax.numpy as jnp
from jax import lax
from jax.experimental import pallas as pl
from jax.experimental.pallas import tpu as pltpu
from jax.experimental.pallas import tpu_sc as plsc

VOCAB = 100000
D_MODEL = 128
BATCH = 4096
SEQ = 50
NUM_CORES = 2
NUM_SUBCORES = 16
NW = NUM_CORES * NUM_SUBCORES
B_PER_W = BATCH // NW
NBUF = 5
GDEPTH = 3

_mesh = plsc.VectorSubcoreMesh(core_axis_name="c", subcore_axis_name="s")


@functools.partial(
    pl.kernel,
    mesh=_mesh,
    out_type=jax.ShapeDtypeStruct((SEQ, BATCH, D_MODEL), jnp.float32),
    scratch_types=(
        [pltpu.VMEM((SEQ, B_PER_W), jnp.int32)]
        + [pltpu.VMEM((B_PER_W, D_MODEL), jnp.float32)] * NBUF
        + [pltpu.SemaphoreType.DMA] * (2 * NBUF)
    ),
)
def _embed(x_hbm, table_hbm, out_hbm, idx_v, *bufs_and_sems):
    rows = bufs_and_sems[:NBUF]
    gsem = bufs_and_sems[NBUF:2 * NBUF]
    wsem = bufs_and_sems[2 * NBUF:]

    wid = lax.axis_index("s") * NUM_CORES + lax.axis_index("c")
    base = wid * B_PER_W

    pltpu.sync_copy(x_hbm.at[:, pl.ds(base, B_PER_W)], idx_v)

    for i in range(GDEPTH):
        pltpu.async_copy(table_hbm.at[idx_v.at[i]], rows[i], gsem[i])

    def group(g, carry):
        for s in range(NBUF):
            j = g * NBUF + s

            pltpu.make_async_copy(
                table_hbm.at[idx_v.at[j]], rows[s], gsem[s]
            ).wait()
            pltpu.async_copy(
                rows[s], out_hbm.at[j].at[pl.ds(base, B_PER_W)], wsem[s]
            )

            kb = (s + GDEPTH) % NBUF

            @pl.when(j + GDEPTH < SEQ)
            def _():
                @pl.when(j >= NBUF - GDEPTH)
                def _():
                    pltpu.make_async_copy(
                        rows[kb], out_hbm.at[0].at[pl.ds(0, B_PER_W)],
                        wsem[kb]
                    ).wait()
                pltpu.async_copy(
                    table_hbm.at[idx_v.at[j + GDEPTH]], rows[kb], gsem[kb]
                )
        return carry

    lax.fori_loop(0, SEQ // NBUF, group, 0)

    for s in range(NBUF):
        pltpu.make_async_copy(
            rows[s], out_hbm.at[0].at[pl.ds(0, B_PER_W)], wsem[s]
        ).wait()


def kernel(x, table):
    out = _embed(x.T, table)
    return out.transpose(1, 0, 2)

# --- scband reference (transcript-rebuilt; emitter-appended) ---
"""Pipeline reference for scband-sentence-embedding-86328842650006 (READ-ONLY COPY).

The authoritative reference and input builder live on the scoring server;
editing this copy changes nothing except your own understanding.
"""

import jax, jax.numpy as jnp
import numpy as np

VOCAB = 100000
D_MODEL = 128
PAD_IDX = 0
BATCH = 4096
SEQ = 50


def setup_inputs(seed: int = 0) -> dict:
    key = jax.random.key(seed)
    k1, k2 = jax.random.split(key)
    x = jax.random.randint(k1, (BATCH, SEQ), 0, VOCAB, dtype=jnp.int32)
    table = jax.random.normal(k2, (VOCAB, D_MODEL), dtype=jnp.float32)
    # nn.Embedding with padding_idx zeroes the padding row at init
    table = table.at[PAD_IDX].set(0.0)
    return {"x": x, "table": table}


def reference(x, table):
    # Faithful to nn.Embedding(vocab, d_model, padding_idx=pad_idx):
    # the padding row always reads as zeros.
    tbl = table.at[PAD_IDX].set(jnp.zeros((D_MODEL,), dtype=table.dtype))
    return jnp.take(tbl, x, axis=0)

if __name__ == "__main__":
    import jax
    _d = setup_inputs()
    print(jax.jit(kernel)(*tuple(_d.values())))

</pallas_src>

<mosaic_0001>
#map = affine_map<(d0, d1) -> (0, 0)>
#map1 = affine_map<(d0, d1) -> (0, 0, 0)>
module attributes {stable_mosaic.version = 14 : i64} {
  func.func @_embed(%arg0: i32, %arg1: i32, %arg2: memref<50x4096xi32, #tpu.memory_space<hbm>>, %arg3: memref<100000x128xf32, #tpu.memory_space<hbm>>, %arg4: memref<50x4096x128xf32, #tpu.memory_space<hbm>>, %arg5: memref<50x128xi32, #tpu.memory_space<vmem>>, %arg6: memref<128x128xf32, #tpu.memory_space<vmem>>, %arg7: memref<128x128xf32, #tpu.memory_space<vmem>>, %arg8: memref<128x128xf32, #tpu.memory_space<vmem>>, %arg9: memref<128x128xf32, #tpu.memory_space<vmem>>, %arg10: memref<128x128xf32, #tpu.memory_space<vmem>>, %arg11: memref<!tpu.dma_semaphore, #tpu.memory_space<semaphore_mem>>, %arg12: memref<!tpu.dma_semaphore, #tpu.memory_space<semaphore_mem>>, %arg13: memref<!tpu.dma_semaphore, #tpu.memory_space<semaphore_mem>>, %arg14: memref<!tpu.dma_semaphore, #tpu.memory_space<semaphore_mem>>, %arg15: memref<!tpu.dma_semaphore, #tpu.memory_space<semaphore_mem>>, %arg16: memref<!tpu.dma_semaphore, #tpu.memory_space<semaphore_mem>>, %arg17: memref<!tpu.dma_semaphore, #tpu.memory_space<semaphore_mem>>, %arg18: memref<!tpu.dma_semaphore, #tpu.memory_space<semaphore_mem>>, %arg19: memref<!tpu.dma_semaphore, #tpu.memory_space<semaphore_mem>>, %arg20: memref<!tpu.dma_semaphore, #tpu.memory_space<semaphore_mem>>) attributes {dimension_semantics = [#tpu.dimension_semantics<core_parallel>, #tpu.dimension_semantics<subcore_parallel>], iteration_bounds = array<i64: 2, 16>, scalar_prefetch = 0 : i64, scratch_operands = 16 : i64, tpu.core_type = #tpu.core_type<sc_vector_subcore>, window_params = [{transform_indices = #map}, {transform_indices = #map}, {transform_indices = #map1}]} {
    %mul3A = arith.constant 2 : i32
    %mul3A_0 = arith.muli %arg1, %mul3A : i32
    %add3A = arith.addi %mul3A_0, %arg0 : i32
    %mul3A_1 = arith.constant 128 : i32
    %mul3A_2 = arith.muli %add3A, %mul3A_1 : i32
    "tpu.region"() ({
      %run_scoped3A = tpu.sem_alloc : memref<!tpu.dma_semaphore, #tpu.memory_space<semaphore_mem>>
      %dma_start3A_102 = arith.constant 0 : i32
      %dma_start3A_103 = tpu.memref_slice %arg2[%dma_start3A_102, %mul3A_2] : memref<50x4096xi32, #tpu.memory_space<hbm>> -> memref<50x128xi32, #tpu.memory_space<hbm>>
      %dma_start3A_104 = arith.constant 0 : i32
      %dma_start3A_105 = tpu.memref_slice %arg2[%dma_start3A_104, %mul3A_2] : memref<50x4096xi32, #tpu.memory_space<hbm>> -> memref<50x128xi32, #tpu.memory_space<hbm>>
      tpu.enqueue_dma source(%dma_start3A_105 : memref<50x128xi32, #tpu.memory_space<hbm>>) target(%arg5 : memref<50x128xi32, #tpu.memory_space<vmem>>) target_semaphore(%run_scoped3A : memref<!tpu.dma_semaphore, #tpu.memory_space<semaphore_mem>>)
      %dma_wait3A_106 = arith.constant 0 : i32
      %dma_wait3A_107 = tpu.memref_slice %arg2[%dma_wait3A_106, %mul3A_2] : memref<50x4096xi32, #tpu.memory_space<hbm>> -> memref<50x128xi32, #tpu.memory_space<hbm>>
      %dma_wait3A_108 = arith.constant 0 : i32
      %dma_wait3A_109 = tpu.memref_slice %arg2[%dma_wait3A_108, %mul3A_2] : memref<50x4096xi32, #tpu.memory_space<hbm>> -> memref<50x128xi32, #tpu.memory_space<hbm>>
      tpu.wait_dma2 semaphore(%run_scoped3A : memref<!tpu.dma_semaphore, #tpu.memory_space<semaphore_mem>>) src(%dma_wait3A_109 : memref<50x128xi32, #tpu.memory_space<hbm>>) dst(%arg5 : memref<50x128xi32, #tpu.memory_space<vmem>>)
      tpu.yield
    }) : () -> ()
    %dma_start3A = arith.constant 0 : i32
    %dma_start3A_3 = arith.constant 0 : i32
    %dma_start3A_4 = tpu.memref_slice %arg5[%dma_start3A, %dma_start3A_3] : memref<50x128xi32, #tpu.memory_space<vmem>> -> memref<1x128xi32, #tpu.memory_space<vmem>>
    %dma_start3A_5 = tpu.memref_squeeze %dma_start3A_4 : memref<1x128xi32, #tpu.memory_space<vmem>> -> memref<128xi32, #tpu.memory_space<vmem>>
    %dma_start3A_6 = arith.constant 0 : i32
    %dma_start3A_7 = arith.constant 0 : i32
    %dma_start3A_8 = tpu.memref_slice %arg3[%dma_start3A_6, %dma_start3A_7] : memref<100000x128xf32, #tpu.memory_space<hbm>> -> memref<100000x128xf32, #tpu.memory_space<hbm>>
    tpu.enqueue_indirect_dma source(%dma_start3A_8 : memref<100000x128xf32, #tpu.memory_space<hbm>>) target(%arg6 : memref<128x128xf32, #tpu.memory_space<vmem>>) offsets(%dma_start3A_5 : memref<128xi32, #tpu.memory_space<vmem>>) semaphore(%arg11 : memref<!tpu.dma_semaphore, #tpu.memory_space<semaphore_mem>>)
    %dma_start3A_9 = arith.constant 1 : i32
    %dma_start3A_10 = arith.constant 0 : i32
    %dma_start3A_11 = tpu.memref_slice %arg5[%dma_start3A_9, %dma_start3A_10] : memref<50x128xi32, #tpu.memory_space<vmem>> -> memref<1x128xi32, #tpu.memory_space<vmem>>
    %dma_start3A_12 = tpu.memref_squeeze %dma_start3A_11 : memref<1x128xi32, #tpu.memory_space<vmem>> -> memref<128xi32, #tpu.memory_space<vmem>>
    %dma_start3A_13 = arith.constant 0 : i32
    %dma_start3A_14 = arith.constant 0 : i32
    %dma_start3A_15 = tpu.memref_slice %arg3[%dma_start3A_13, %dma_start3A_14] : memref<100000x128xf32, #tpu.memory_space<hbm>> -> memref<100000x128xf32, #tpu.memory_space<hbm>>
    tpu.enqueue_indirect_dma source(%dma_start3A_15 : memref<100000x128xf32, #tpu.memory_space<hbm>>) target(%arg7 : memref<128x128xf32, #tpu.memory_space<vmem>>) offsets(%dma_start3A_12 : memref<128xi32, #tpu.memory_space<vmem>>) semaphore(%arg12 : memref<!tpu.dma_semaphore, #tpu.memory_space<semaphore_mem>>)
    %dma_start3A_16 = arith.constant 2 : i32
    %dma_start3A_17 = arith.constant 0 : i32
    %dma_start3A_18 = tpu.memref_slice %arg5[%dma_start3A_16, %dma_start3A_17] : memref<50x128xi32, #tpu.memory_space<vmem>> -> memref<1x128xi32, #tpu.memory_space<vmem>>
    %dma_start3A_19 = tpu.memref_squeeze %dma_start3A_18 : memref<1x128xi32, #tpu.memory_space<vmem>> -> memref<128xi32, #tpu.memory_space<vmem>>
    %dma_start3A_20 = arith.constant 0 : i32
    %dma_start3A_21 = arith.constant 0 : i32
    %dma_start3A_22 = tpu.memref_slice %arg3[%dma_start3A_20, %dma_start3A_21] : memref<100000x128xf32, #tpu.memory_space<hbm>> -> memref<100000x128xf32, #tpu.memory_space<hbm>>
    tpu.enqueue_indirect_dma source(%dma_start3A_22 : memref<100000x128xf32, #tpu.memory_space<hbm>>) target(%arg8 : memref<128x128xf32, #tpu.memory_space<vmem>>) offsets(%dma_start3A_19 : memref<128xi32, #tpu.memory_space<vmem>>) semaphore(%arg13 : memref<!tpu.dma_semaphore, #tpu.memory_space<semaphore_mem>>)
    %scan3A = arith.constant 0 : i32
    %scan3A_23 = arith.constant 0 : i32
    %scan3A_24 = arith.constant 10 : i32
    %scan3A_25 = arith.addi %scan3A_23, %scan3A_24 : i32
    %scan3A_26 = arith.constant 1 : i32
    scf.for %scan3A_102 = %scan3A_23 to %scan3A_25 step %scan3A_26  : i32 {
      %mul3A_103 = arith.constant 5 : i32
      %mul3A_104 = arith.muli %scan3A_102, %mul3A_103 : i32
      %add3A_105 = arith.constant 0 : i32
      %add3A_106 = arith.addi %mul3A_104, %add3A_105 : i32
      %dma_wait3A_107 = arith.constant 0 : i32
      %dma_wait3A_108 = tpu.memref_slice %arg5[%add3A_106, %dma_wait3A_107] : memref<50x128xi32, #tpu.memory_space<vmem>> -> memref<1x128xi32, #tpu.memory_space<vmem>>
      %dma_wait3A_109 = tpu.memref_squeeze %dma_wait3A_108 : memref<1x128xi32, #tpu.memory_space<vmem>> -> memref<128xi32, #tpu.memory_space<vmem>>
      %dma_wait3A_110 = arith.constant 0 : i32
      %dma_wait3A_111 = arith.constant 0 : i32
      %dma_wait3A_112 = tpu.memref_slice %arg3[%dma_wait3A_110, %dma_wait3A_111] : memref<100000x128xf32, #tpu.memory_space<hbm>> -> memref<100000x128xf32, #tpu.memory_space<hbm>>
      tpu.wait_indirect_dma semaphore(%arg11 : memref<!tpu.dma_semaphore, #tpu.memory_space<semaphore_mem>>) src(%dma_wait3A_112 : memref<100000x128xf32, #tpu.memory_space<hbm>>) dst(%arg6 : memref<128x128xf32, #tpu.memory_space<vmem>>)
      %dma_start3A_113 = arith.constant 0 : i32
      %dma_start3A_114 = arith.constant 0 : i32
      %dma_start3A_115 = tpu.memref_slice %arg4[%add3A_106, %dma_start3A_113, %dma_start3A_114] : memref<50x4096x128xf32, #tpu.memory_space<hbm>> -> memref<1x4096x128xf32, #tpu.memory_space<hbm>>
      %dma_start3A_116 = tpu.memref_squeeze %dma_start3A_115 : memref<1x4096x128xf32, #tpu.memory_space<hbm>> -> memref<4096x128xf32, #tpu.memory_space<hbm>>
      %dma_start3A_117 = arith.constant 0 : i32
      %dma_start3A_118 = tpu.memref_slice %dma_start3A_116[%mul3A_2, %dma_start3A_117] : memref<4096x128xf32, #tpu.memory_space<hbm>> -> memref<128x128xf32, #tpu.memory_space<hbm>>
      %dma_start3A_119 = arith.constant 0 : i32
      %dma_start3A_120 = arith.constant 0 : i32
      %dma_start3A_121 = tpu.memref_slice %arg4[%add3A_106, %dma_start3A_119, %dma_start3A_120] : memref<50x4096x128xf32, #tpu.memory_space<hbm>> -> memref<1x4096x128xf32, #tpu.memory_space<hbm>>
      %dma_start3A_122 = tpu.memref_squeeze %dma_start3A_121 : memref<1x4096x128xf32, #tpu.memory_space<hbm>> -> memref<4096x128xf32, #tpu.memory_space<hbm>>
      %dma_start3A_123 = arith.constant 0 : i32
      %dma_start3A_124 = tpu.memref_slice %dma_start3A_122[%mul3A_2, %dma_start3A_123] : memref<4096x128xf32, #tpu.memory_space<hbm>> -> memref<128x128xf32, #tpu.memory_space<hbm>>
      tpu.enqueue_dma source(%arg6 : memref<128x128xf32, #tpu.memory_space<vmem>>) target(%dma_start3A_124 : memref<128x128xf32, #tpu.memory_space<hbm>>) target_semaphore(%arg16 : memref<!tpu.dma_semaphore, #tpu.memory_space<semaphore_mem>>)
      %add3A_125 = arith.constant 3 : i32
      %add3A_126 = arith.addi %add3A_106, %add3A_125 : i32
      %lt3A = arith.constant 50 : i32
      %lt3A_127 = arith.cmpi slt, %add3A_126, %lt3A : i32
      %convert_element_type3A = arith.extui %lt3A_127 : i1 to i32
      %cond3A = arith.constant 0 : i32
      %cond3A_128 = arith.cmpi ne, %convert_element_type3A, %cond3A : i32
      scf.if %cond3A_128 {
        %ge3A = arith.constant 2 : i32
        %ge3A_245 = arith.cmpi sge, %add3A_106, %ge3A : i32
        %convert_element_type3A_246 = arith.extui %ge3A_245 : i1 to i32
        %cond3A_247 = arith.constant 0 : i32
        %cond3A_248 = arith.cmpi ne, %convert_element_type3A_246, %cond3A_247 : i32
        scf.if %cond3A_248 {
          %dma_wait3A_257 = arith.constant 0 : i32
          %dma_wait3A_258 = arith.constant 0 : i32
          %dma_wait3A_259 = arith.constant 0 : i32
          %dma_wait3A_260 = tpu.memref_slice %arg4[%dma_wait3A_257, %dma_wait3A_258, %dma_wait3A_259] : memref<50x4096x128xf32, #tpu.memory_space<hbm>> -> memref<1x4096x128xf32, #tpu.memory_space<hbm>>
          %dma_wait3A_261 = tpu.memref_squeeze %dma_wait3A_260 : memref<1x4096x128xf32, #tpu.memory_space<hbm>> -> memref<4096x128xf32, #tpu.memory_space<hbm>>
          %dma_wait3A_262 = arith.constant 0 : i32
          %dma_wait3A_263 = arith.constant 0 : i32
          %dma_wait3A_264 = tpu.memref_slice %dma_wait3A_261[%dma_wait3A_262, %dma_wait3A_263] : memref<4096x128xf32, #tpu.memory_space<hbm>> -> memref<128x128xf32, #tpu.memory_space<hbm>>
          %dma_wait3A_265 = arith.constant 0 : i32
          %dma_wait3A_266 = arith.constant 0 : i32
          %dma_wait3A_267 = tpu.memref_slice %arg4[%dma_wait3A_257, %dma_wait3A_265, %dma_wait3A_266] : memref<50x4096x128xf32, #tpu.memory_space<hbm>> -> memref<1x4096x128xf32, #tpu.memory_space<hbm>>
          %dma_wait3A_268 = tpu.memref_squeeze %dma_wait3A_267 : memref<1x4096x128xf32, #tpu.memory_space<hbm>> -> memref<4096x128xf32, #tpu.memory_space<hbm>>
          %dma_wait3A_269 = arith.constant 0 : i32
          %dma_wait3A_270 = arith.constant 0 : i32
          %dma_wait3A_271 = tpu.memref_slice %dma_wait3A_268[%dma_wait3A_269, %dma_wait3A_270] : memref<4096x128xf32, #tpu.memory_space<hbm>> -> memref<128x128xf32, #tpu.memory_space<hbm>>
          tpu.wait_dma2 semaphore(%arg19 : memref<!tpu.dma_semaphore, #tpu.memory_space<semaphore_mem>>) src(%arg9 : memref<128x128xf32, #tpu.memory_space<vmem>>) dst(%dma_wait3A_271 : memref<128x128xf32, #tpu.memory_space<hbm>>)
        } else {
        }
        %add3A_249 = arith.constant 3 : i32
        %add3A_250 = arith.addi %add3A_106, %add3A_249 : i32
        %dma_start3A_251 = arith.constant 0 : i32
        %dma_start3A_252 = tpu.memref_slice %arg5[%add3A_250, %dma_start3A_251] : memref<50x128xi32, #tpu.memory_space<vmem>> -> memref<1x128xi32, #tpu.memory_space<vmem>>
        %dma_start3A_253 = tpu.memref_squeeze %dma_start3A_252 : memref<1x128xi32, #tpu.memory_space<vmem>> -> memref<128xi32, #tpu.memory_space<vmem>>
        %dma_start3A_254 = arith.constant 0 : i32
        %dma_start3A_255 = arith.constant 0 : i32
        %dma_start3A_256 = tpu.memref_slice %arg3[%dma_start3A_254, %dma_start3A_255] : memref<100000x128xf32, #tpu.memory_space<hbm>> -> memref<100000x128xf32, #tpu.memory_space<hbm>>
        tpu.enqueue_indirect_dma source(%dma_start3A_256 : memref<100000x128xf32, #tpu.memory_space<hbm>>) target(%arg9 : memref<128x128xf32, #tpu.memory_space<vmem>>) offsets(%dma_start3A_253 : memref<128xi32, #tpu.memory_space<vmem>>) semaphore(%arg14 : memref<!tpu.dma_semaphore, #tpu.memory_space<semaphore_mem>>)
      } else {
      }
      %mul3A_129 = arith.constant 5 : i32
      %mul3A_130 = arith.muli %scan3A_102, %mul3A_129 : i32
      %add3A_131 = arith.constant 1 : i32
      %add3A_132 = arith.addi %mul3A_130, %add3A_131 : i32
      %dma_wait3A_133 = arith.constant 0 : i32
      %dma_wait3A_134 = tpu.memref_slice %arg5[%add3A_132, %dma_wait3A_133] : memref<50x128xi32, #tpu.memory_space<vmem>> -> memref<1x128xi32, #tpu.memory_space<vmem>>
      %dma_wait3A_135 = tpu.memref_squeeze %dma_wait3A_134 : memref<1x128xi32, #tpu.memory_space<vmem>> -> memref<128xi32, #tpu.memory_space<vmem>>
      %dma_wait3A_136 = arith.constant 0 : i32
      %dma_wait3A_137 = arith.constant 0 : i32
      %dma_wait3A_138 = tpu.memref_slice %arg3[%dma_wait3A_136, %dma_wait3A_137] : memref<100000x128xf32, #tpu.memory_space<hbm>> -> memref<100000x128xf32, #tpu.memory_space<hbm>>
      tpu.wait_indirect_dma semaphore(%arg12 : memref<!tpu.dma_semaphore, #tpu.memory_space<semaphore_mem>>) src(%dma_wait3A_138 : memref<100000x128xf32, #tpu.memory_space<hbm>>) dst(%arg7 : memref<128x128xf32, #tpu.memory_space<vmem>>)
      %dma_start3A_139 = arith.constant 0 : i32
      %dma_start3A_140 = arith.constant 0 : i32
      %dma_start3A_141 = tpu.memref_slice %arg4[%add3A_132, %dma_start3A_139, %dma_start3A_140] : memref<50x4096x128xf32, #tpu.memory_space<hbm>> -> memref<1x4096x128xf32, #tpu.memory_space<hbm>>
      %dma_start3A_142 = tpu.memref_squeeze %dma_start3A_141 : memref<1x4096x128xf32, #tpu.memory_space<hbm>> -> memref<4096x128xf32, #tpu.memory_space<hbm>>
      %dma_start3A_143 = arith.constant 0 : i32
      %dma_start3A_144 = tpu.memref_slice %dma_start3A_142[%mul3A_2, %dma_start3A_143] : memref<4096x128xf32, #tpu.memory_space<hbm>> -> memref<128x128xf32, #tpu.memory_space<hbm>>
      %dma_start3A_145 = arith.constant 0 : i32
      %dma_start3A_146 = arith.constant 0 : i32
      %dma_start3A_147 = tpu.memref_slice %arg4[%add3A_132, %dma_start3A_145, %dma_start3A_146] : memref<50x4096x128xf32, #tpu.memory_space<hbm>> -> memref<1x4096x128xf32, #tpu.memory_space<hbm>>
      %dma_start3A_148 = tpu.memref_squeeze %dma_start3A_147 : memref<1x4096x128xf32, #tpu.memory_space<hbm>> -> memref<4096x128xf32, #tpu.memory_space<hbm>>
      %dma_start3A_149 = arith.constant 0 : i32
      %dma_start3A_150 = tpu.memref_slice %dma_start3A_148[%mul3A_2, %dma_start3A_149] : memref<4096x128xf32, #tpu.memory_space<hbm>> -> memref<128x128xf32, #tpu.memory_space<hbm>>
      tpu.enqueue_dma source(%arg7 : memref<128x128xf32, #tpu.memory_space<vmem>>) target(%dma_start3A_150 : memref<128x128xf32, #tpu.memory_space<hbm>>) target_semaphore(%arg17 : memref<!tpu.dma_semaphore, #tpu.memory_space<semaphore_mem>>)
      %add3A_151 = arith.constant 3 : i32
      %add3A_152 = arith.addi %add3A_132, %add3A_151 : i32
      %lt3A_153 = arith.constant 50 : i32
      %lt3A_154 = arith.cmpi slt, %add3A_152, %lt3A_153 : i32
      %convert_element_type3A_155 = arith.extui %lt3A_154 : i1 to i32
      %cond3A_156 = arith.constant 0 : i32
      %cond3A_157 = arith.cmpi ne, %convert_element_type3A_155, %cond3A_156 : i32
      scf.if %cond3A_157 {
        %ge3A = arith.constant 2 : i32
        %ge3A_245 = arith.cmpi sge, %add3A_132, %ge3A : i32
        %convert_element_type3A_246 = arith.extui %ge3A_245 : i1 to i32
        %cond3A_247 = arith.constant 0 : i32
        %cond3A_248 = arith.cmpi ne, %convert_element_type3A_246, %cond3A_247 : i32
        scf.if %cond3A_248 {
          %dma_wait3A_257 = arith.constant 0 : i32
          %dma_wait3A_258 = arith.constant 0 : i32
          %dma_wait3A_259 = arith.constant 0 : i32
          %dma_wait3A_260 = tpu.memref_slice %arg4[%dma_wait3A_257, %dma_wait3A_258, %dma_wait3A_259] : memref<50x4096x128xf32, #tpu.memory_space<hbm>> -> memref<1x4096x128xf32, #tpu.memory_space<hbm>>
          %dma_wait3A_261 = tpu.memref_squeeze %dma_wait3A_260 : memref<1x4096x128xf32, #tpu.memory_space<hbm>> -> memref<4096x128xf32, #tpu.memory_space<hbm>>
          %dma_wait3A_262 = arith.constant 0 : i32
          %dma_wait3A_263 = arith.constant 0 : i32
          %dma_wait3A_264 = tpu.memref_slice %dma_wait3A_261[%dma_wait3A_262, %dma_wait3A_263] : memref<4096x128xf32, #tpu.memory_space<hbm>> -> memref<128x128xf32, #tpu.memory_space<hbm>>
          %dma_wait3A_265 = arith.constant 0 : i32
          %dma_wait3A_266 = arith.constant 0 : i32
          %dma_wait3A_267 = tpu.memref_slice %arg4[%dma_wait3A_257, %dma_wait3A_265, %dma_wait3A_266] : memref<50x4096x128xf32, #tpu.memory_space<hbm>> -> memref<1x4096x128xf32, #tpu.memory_space<hbm>>
          %dma_wait3A_268 = tpu.memref_squeeze %dma_wait3A_267 : memref<1x4096x128xf32, #tpu.memory_space<hbm>> -> memref<4096x128xf32, #tpu.memory_space<hbm>>
          %dma_wait3A_269 = arith.constant 0 : i32
          %dma_wait3A_270 = arith.constant 0 : i32
          %dma_wait3A_271 = tpu.memref_slice %dma_wait3A_268[%dma_wait3A_269, %dma_wait3A_270] : memref<4096x128xf32, #tpu.memory_space<hbm>> -> memref<128x128xf32, #tpu.memory_space<hbm>>
          tpu.wait_dma2 semaphore(%arg20 : memref<!tpu.dma_semaphore, #tpu.memory_space<semaphore_mem>>) src(%arg10 : memref<128x128xf32, #tpu.memory_space<vmem>>) dst(%dma_wait3A_271 : memref<128x128xf32, #tpu.memory_space<hbm>>)
        } else {
        }
        %add3A_249 = arith.constant 3 : i32
        %add3A_250 = arith.addi %add3A_132, %add3A_249 : i32
        %dma_start3A_251 = arith.constant 0 : i32
        %dma_start3A_252 = tpu.memref_slice %arg5[%add3A_250, %dma_start3A_251] : memref<50x128xi32, #tpu.memory_space<vmem>> -> memref<1x128xi32, #tpu.memory_space<vmem>>
        %dma_start3A_253 = tpu.memref_squeeze %dma_start3A_252 : memref<1x128xi32, #tpu.memory_space<vmem>> -> memref<128xi32, #tpu.memory_space<vmem>>
        %dma_start3A_254 = arith.constant 0 : i32
        %dma_start3A_255 = arith.constant 0 : i32
        %dma_start3A_256 = tpu.memref_slice %arg3[%dma_start3A_254, %dma_start3A_255] : memref<100000x128xf32, #tpu.memory_space<hbm>> -> memref<100000x128xf32, #tpu.memory_space<hbm>>
        tpu.enqueue_indirect_dma source(%dma_start3A_256 : memref<100000x128xf32, #tpu.memory_space<hbm>>) target(%arg10 : memref<128x128xf32, #tpu.memory_space<vmem>>) offsets(%dma_start3A_253 : memref<128xi32, #tpu.memory_space<vmem>>) semaphore(%arg15 : memref<!tpu.dma_semaphore, #tpu.memory_space<semaphore_mem>>)
      } else {
      }
      %mul3A_158 = arith.constant 5 : i32
      %mul3A_159 = arith.muli %scan3A_102, %mul3A_158 : i32
      %add3A_160 = arith.constant 2 : i32
      %add3A_161 = arith.addi %mul3A_159, %add3A_160 : i32
      %dma_wait3A_162 = arith.constant 0 : i32
      %dma_wait3A_163 = tpu.memref_slice %arg5[%add3A_161, %dma_wait3A_162] : memref<50x128xi32, #tpu.memory_space<vmem>> -> memref<1x128xi32, #tpu.memory_space<vmem>>
      %dma_wait3A_164 = tpu.memref_squeeze %dma_wait3A_163 : memref<1x128xi32, #tpu.memory_space<vmem>> -> memref<128xi32, #tpu.memory_space<vmem>>
      %dma_wait3A_165 = arith.constant 0 : i32
      %dma_wait3A_166 = arith.constant 0 : i32
      %dma_wait3A_167 = tpu.memref_slice %arg3[%dma_wait3A_165, %dma_wait3A_166] : memref<100000x128xf32, #tpu.memory_space<hbm>> -> memref<100000x128xf32, #tpu.memory_space<hbm>>
      tpu.wait_indirect_dma semaphore(%arg13 : memref<!tpu.dma_semaphore, #tpu.memory_space<semaphore_mem>>) src(%dma_wait3A_167 : memref<100000x128xf32, #tpu.memory_space<hbm>>) dst(%arg8 : memref<128x128xf32, #tpu.memory_space<vmem>>)
      %dma_start3A_168 = arith.constant 0 : i32
      %dma_start3A_169 = arith.constant 0 : i32
      %dma_start3A_170 = tpu.memref_slice %arg4[%add3A_161, %dma_start3A_168, %dma_start3A_169] : memref<50x4096x128xf32, #tpu.memory_space<hbm>> -> memref<1x4096x128xf32, #tpu.memory_space<hbm>>
      %dma_start3A_171 = tpu.memref_squeeze %dma_start3A_170 : memref<1x4096x128xf32, #tpu.memory_space<hbm>> -> memref<4096x128xf32, #tpu.memory_space<hbm>>
      %dma_start3A_172 = arith.constant 0 : i32
      %dma_start3A_173 = tpu.memref_slice %dma_start3A_171[%mul3A_2, %dma_start3A_172] : memref<4096x128xf32, #tpu.memory_space<hbm>> -> memref<128x128xf32, #tpu.memory_space<hbm>>
      %dma_start3A_174 = arith.constant 0 : i32
      %dma_start3A_175 = arith.constant 0 : i32
      %dma_start3A_176 = tpu.memref_slice %arg4[%add3A_161, %dma_start3A_174, %dma_start3A_175] : memref<50x4096x128xf32, #tpu.memory_space<hbm>> -> memref<1x4096x128xf32, #tpu.memory_space<hbm>>
      %dma_start3A_177 = tpu.memref_squeeze %dma_start3A_176 : memref<1x4096x128xf32, #tpu.memory_space<hbm>> -> memref<4096x128xf32, #tpu.memory_space<hbm>>
      %dma_start3A_178 = arith.constant 0 : i32
      %dma_start3A_179 = tpu.memref_slice %dma_start3A_177[%mul3A_2, %dma_start3A_178] : memref<4096x128xf32, #tpu.memory_space<hbm>> -> memref<128x128xf32, #tpu.memory_space<hbm>>
      tpu.enqueue_dma source(%arg8 : memref<128x128xf32, #tpu.memory_space<vmem>>) target(%dma_start3A_179 : memref<128x128xf32, #tpu.memory_space<hbm>>) target_semaphore(%arg18 : memref<!tpu.dma_semaphore, #tpu.memory_space<semaphore_mem>>)
      %add3A_180 = arith.constant 3 : i32
      %add3A_181 = arith.addi %add3A_161, %add3A_180 : i32
      %lt3A_182 = arith.constant 50 : i32
      %lt3A_183 = arith.cmpi slt, %add3A_181, %lt3A_182 : i32
      %convert_element_type3A_184 = arith.extui %lt3A_183 : i1 to i32
      %cond3A_185 = arith.constant 0 : i32
      %cond3A_186 = arith.cmpi ne, %convert_element_type3A_184, %cond3A_185 : i32
      scf.if %cond3A_186 {
        %ge3A = arith.constant 2 : i32
        %ge3A_245 = arith.cmpi sge, %add3A_161, %ge3A : i32
        %convert_element_type3A_246 = arith.extui %ge3A_245 : i1 to i32
        %cond3A_247 = arith.constant 0 : i32
        %cond3A_248 = arith.cmpi ne, %convert_element_type3A_246, %cond3A_247 : i32
        scf.if %cond3A_248 {
          %dma_wait3A_257 = arith.constant 0 : i32
          %dma_wait3A_258 = arith.constant 0 : i32
          %dma_wait3A_259 = arith.constant 0 : i32
          %dma_wait3A_260 = tpu.memref_slice %arg4[%dma_wait3A_257, %dma_wait3A_258, %dma_wait3A_259] : memref<50x4096x128xf32, #tpu.memory_space<hbm>> -> memref<1x4096x128xf32, #tpu.memory_space<hbm>>
          %dma_wait3A_261 = tpu.memref_squeeze %dma_wait3A_260 : memref<1x4096x128xf32, #tpu.memory_space<hbm>> -> memref<4096x128xf32, #tpu.memory_space<hbm>>
          %dma_wait3A_262 = arith.constant 0 : i32
          %dma_wait3A_263 = arith.constant 0 : i32
          %dma_wait3A_264 = tpu.memref_slice %dma_wait3A_261[%dma_wait3A_262, %dma_wait3A_263] : memref<4096x128xf32, #tpu.memory_space<hbm>> -> memref<128x128xf32, #tpu.memory_space<hbm>>
          %dma_wait3A_265 = arith.constant 0 : i32
          %dma_wait3A_266 = arith.constant 0 : i32
          %dma_wait3A_267 = tpu.memref_slice %arg4[%dma_wait3A_257, %dma_wait3A_265, %dma_wait3A_266] : memref<50x4096x128xf32, #tpu.memory_space<hbm>> -> memref<1x4096x128xf32, #tpu.memory_space<hbm>>
          %dma_wait3A_268 = tpu.memref_squeeze %dma_wait3A_267 : memref<1x4096x128xf32, #tpu.memory_space<hbm>> -> memref<4096x128xf32, #tpu.memory_space<hbm>>
          %dma_wait3A_269 = arith.constant 0 : i32
          %dma_wait3A_270 = arith.constant 0 : i32
          %dma_wait3A_271 = tpu.memref_slice %dma_wait3A_268[%dma_wait3A_269, %dma_wait3A_270] : memref<4096x128xf32, #tpu.memory_space<hbm>> -> memref<128x128xf32, #tpu.memory_space<hbm>>
          tpu.wait_dma2 semaphore(%arg16 : memref<!tpu.dma_semaphore, #tpu.memory_space<semaphore_mem>>) src(%arg6 : memref<128x128xf32, #tpu.memory_space<vmem>>) dst(%dma_wait3A_271 : memref<128x128xf32, #tpu.memory_space<hbm>>)
        } else {
        }
        %add3A_249 = arith.constant 3 : i32
        %add3A_250 = arith.addi %add3A_161, %add3A_249 : i32
        %dma_start3A_251 = arith.constant 0 : i32
        %dma_start3A_252 = tpu.memref_slice %arg5[%add3A_250, %dma_start3A_251] : memref<50x128xi32, #tpu.memory_space<vmem>> -> memref<1x128xi32, #tpu.memory_space<vmem>>
        %dma_start3A_253 = tpu.memref_squeeze %dma_start3A_252 : memref<1x128xi32, #tpu.memory_space<vmem>> -> memref<128xi32, #tpu.memory_space<vmem>>
        %dma_start3A_254 = arith.constant 0 : i32
        %dma_start3A_255 = arith.constant 0 : i32
        %dma_start3A_256 = tpu.memref_slice %arg3[%dma_start3A_254, %dma_start3A_255] : memref<100000x128xf32, #tpu.memory_space<hbm>> -> memref<100000x128xf32, #tpu.memory_space<hbm>>
        tpu.enqueue_indirect_dma source(%dma_start3A_256 : memref<100000x128xf32, #tpu.memory_space<hbm>>) target(%arg6 : memref<128x128xf32, #tpu.memory_space<vmem>>) offsets(%dma_start3A_253 : memref<128xi32, #tpu.memory_space<vmem>>) semaphore(%arg11 : memref<!tpu.dma_semaphore, #tpu.memory_space<semaphore_mem>>)
      } else {
      }
      %mul3A_187 = arith.constant 5 : i32
      %mul3A_188 = arith.muli %scan3A_102, %mul3A_187 : i32
      %add3A_189 = arith.constant 3 : i32
      %add3A_190 = arith.addi %mul3A_188, %add3A_189 : i32
      %dma_wait3A_191 = arith.constant 0 : i32
      %dma_wait3A_192 = tpu.memref_slice %arg5[%add3A_190, %dma_wait3A_191] : memref<50x128xi32, #tpu.memory_space<vmem>> -> memref<1x128xi32, #tpu.memory_space<vmem>>
      %dma_wait3A_193 = tpu.memref_squeeze %dma_wait3A_192 : memref<1x128xi32, #tpu.memory_space<vmem>> -> memref<128xi32, #tpu.memory_space<vmem>>
      %dma_wait3A_194 = arith.constant 0 : i32
      %dma_wait3A_195 = arith.constant 0 : i32
      %dma_wait3A_196 = tpu.memref_slice %arg3[%dma_wait3A_194, %dma_wait3A_195] : memref<100000x128xf32, #tpu.memory_space<hbm>> -> memref<100000x128xf32, #tpu.memory_space<hbm>>
      tpu.wait_indirect_dma semaphore(%arg14 : memref<!tpu.dma_semaphore, #tpu.memory_space<semaphore_mem>>) src(%dma_wait3A_196 : memref<100000x128xf32, #tpu.memory_space<hbm>>) dst(%arg9 : memref<128x128xf32, #tpu.memory_space<vmem>>)
      %dma_start3A_197 = arith.constant 0 : i32
      %dma_start3A_198 = arith.constant 0 : i32
      %dma_start3A_199 = tpu.memref_slice %arg4[%add3A_190, %dma_start3A_197, %dma_start3A_198] : memref<50x4096x128xf32, #tpu.memory_space<hbm>> -> memref<1x4096x128xf32, #tpu.memory_space<hbm>>
      %dma_start3A_200 = tpu.memref_squeeze %dma_start3A_199 : memref<1x4096x128xf32, #tpu.memory_space<hbm>> -> memref<4096x128xf32, #tpu.memory_space<hbm>>
      %dma_start3A_201 = arith.constant 0 : i32
      %dma_start3A_202 = tpu.memref_slice %dma_start3A_200[%mul3A_2, %dma_start3A_201] : memref<4096x128xf32, #tpu.memory_space<hbm>> -> memref<128x128xf32, #tpu.memory_space<hbm>>
      %dma_start3A_203 = arith.constant 0 : i32
      %dma_start3A_204 = arith.constant 0 : i32
      %dma_start3A_205 = tpu.memref_slice %arg4[%add3A_190, %dma_start3A_203, %dma_start3A_204] : memref<50x4096x128xf32, #tpu.memory_space<hbm>> -> memref<1x4096x128xf32, #tpu.memory_space<hbm>>
      %dma_start3A_206 = tpu.memref_squeeze %dma_start3A_205 : memref<1x4096x128xf32, #tpu.memory_space<hbm>> -> memref<4096x128xf32, #tpu.memory_space<hbm>>
      %dma_start3A_207 = arith.constant 0 : i32
      %dma_start3A_208 = tpu.memref_slice %dma_start3A_206[%mul3A_2, %dma_start3A_207] : memref<4096x128xf32, #tpu.memory_space<hbm>> -> memref<128x128xf32, #tpu.memory_space<hbm>>
      tpu.enqueue_dma source(%arg9 : memref<128x128xf32, #tpu.memory_space<vmem>>) target(%dma_start3A_208 : memref<128x128xf32, #tpu.memory_space<hbm>>) target_semaphore(%arg19 : memref<!tpu.dma_semaphore, #tpu.memory_space<semaphore_mem>>)
      %add3A_209 = arith.constant 3 : i32
      %add3A_210 = arith.addi %add3A_190, %add3A_209 : i32
      %lt3A_211 = arith.constant 50 : i32
      %lt3A_212 = arith.cmpi slt, %add3A_210, %lt3A_211 : i32
      %convert_element_type3A_213 = arith.extui %lt3A_212 : i1 to i32
      %cond3A_214 = arith.constant 0 : i32
      %cond3A_215 = arith.cmpi ne, %convert_element_type3A_213, %cond3A_214 : i32
      scf.if %cond3A_215 {
        %ge3A = arith.constant 2 : i32
        %ge3A_245 = arith.cmpi sge, %add3A_190, %ge3A : i32
        %convert_element_type3A_246 = arith.extui %ge3A_245 : i1 to i32
        %cond3A_247 = arith.constant 0 : i32
        %cond3A_248 = arith.cmpi ne, %convert_element_type3A_246, %cond3A_247 : i32
        scf.if %cond3A_248 {
          %dma_wait3A_257 = arith.constant 0 : i32
          %dma_wait3A_258 = arith.constant 0 : i32
          %dma_wait3A_259 = arith.constant 0 : i32
          %dma_wait3A_260 = tpu.memref_slice %arg4[%dma_wait3A_257, %dma_wait3A_258, %dma_wait3A_259] : memref<50x4096x128xf32, #tpu.memory_space<hbm>> -> memref<1x4096x128xf32, #tpu.memory_space<hbm>>
          %dma_wait3A_261 = tpu.memref_squeeze %dma_wait3A_260 : memref<1x4096x128xf32, #tpu.memory_space<hbm>> -> memref<4096x128xf32, #tpu.memory_space<hbm>>
          %dma_wait3A_262 = arith.constant 0 : i32
          %dma_wait3A_263 = arith.constant 0 : i32
          %dma_wait3A_264 = tpu.memref_slice %dma_wait3A_261[%dma_wait3A_262, %dma_wait3A_263] : memref<4096x128xf32, #tpu.memory_space<hbm>> -> memref<128x128xf32, #tpu.memory_space<hbm>>
          %dma_wait3A_265 = arith.constant 0 : i32
          %dma_wait3A_266 = arith.constant 0 : i32
          %dma_wait3A_267 = tpu.memref_slice %arg4[%dma_wait3A_257, %dma_wait3A_265, %dma_wait3A_266] : memref<50x4096x128xf32, #tpu.memory_space<hbm>> -> memref<1x4096x128xf32, #tpu.memory_space<hbm>>
          %dma_wait3A_268 = tpu.memref_squeeze %dma_wait3A_267 : memref<1x4096x128xf32, #tpu.memory_space<hbm>> -> memref<4096x128xf32, #tpu.memory_space<hbm>>
          %dma_wait3A_269 = arith.constant 0 : i32
          %dma_wait3A_270 = arith.constant 0 : i32
          %dma_wait3A_271 = tpu.memref_slice %dma_wait3A_268[%dma_wait3A_269, %dma_wait3A_270] : memref<4096x128xf32, #tpu.memory_space<hbm>> -> memref<128x128xf32, #tpu.memory_space<hbm>>
          tpu.wait_dma2 semaphore(%arg17 : memref<!tpu.dma_semaphore, #tpu.memory_space<semaphore_mem>>) src(%arg7 : memref<128x128xf32, #tpu.memory_space<vmem>>) dst(%dma_wait3A_271 : memref<128x128xf32, #tpu.memory_space<hbm>>)
        } else {
        }
        %add3A_249 = arith.constant 3 : i32
        %add3A_250 = arith.addi %add3A_190, %add3A_249 : i32
        %dma_start3A_251 = arith.constant 0 : i32
        %dma_start3A_252 = tpu.memref_slice %arg5[%add3A_250, %dma_start3A_251] : memref<50x128xi32, #tpu.memory_space<vmem>> -> memref<1x128xi32, #tpu.memory_space<vmem>>
        %dma_start3A_253 = tpu.memref_squeeze %dma_start3A_252 : memref<1x128xi32, #tpu.memory_space<vmem>> -> memref<128xi32, #tpu.memory_space<vmem>>
        %dma_start3A_254 = arith.constant 0 : i32
        %dma_start3A_255 = arith.constant 0 : i32
        %dma_start3A_256 = tpu.memref_slice %arg3[%dma_start3A_254, %dma_start3A_255] : memref<100000x128xf32, #tpu.memory_space<hbm>> -> memref<100000x128xf32, #tpu.memory_space<hbm>>
        tpu.enqueue_indirect_dma source(%dma_start3A_256 : memref<100000x128xf32, #tpu.memory_space<hbm>>) target(%arg7 : memref<128x128xf32, #tpu.memory_space<vmem>>) offsets(%dma_start3A_253 : memref<128xi32, #tpu.memory_space<vmem>>) semaphore(%arg12 : memref<!tpu.dma_semaphore, #tpu.memory_space<semaphore_mem>>)
      } else {
      }
      %mul3A_216 = arith.constant 5 : i32
      %mul3A_217 = arith.muli %scan3A_102, %mul3A_216 : i32
      %add3A_218 = arith.constant 4 : i32
      %add3A_219 = arith.addi %mul3A_217, %add3A_218 : i32
      %dma_wait3A_220 = arith.constant 0 : i32
      %dma_wait3A_221 = tpu.memref_slice %arg5[%add3A_219, %dma_wait3A_220] : memref<50x128xi32, #tpu.memory_space<vmem>> -> memref<1x128xi32, #tpu.memory_space<vmem>>
      %dma_wait3A_222 = tpu.memref_squeeze %dma_wait3A_221 : memref<1x128xi32, #tpu.memory_space<vmem>> -> memref<128xi32, #tpu.memory_space<vmem>>
      %dma_wait3A_223 = arith.constant 0 : i32
      %dma_wait3A_224 = arith.constant 0 : i32
      %dma_wait3A_225 = tpu.memref_slice %arg3[%dma_wait3A_223, %dma_wait3A_224] : memref<100000x128xf32, #tpu.memory_space<hbm>> -> memref<100000x128xf32, #tpu.memory_space<hbm>>
      tpu.wait_indirect_dma semaphore(%arg15 : memref<!tpu.dma_semaphore, #tpu.memory_space<semaphore_mem>>) src(%dma_wait3A_225 : memref<100000x128xf32, #tpu.memory_space<hbm>>) dst(%arg10 : memref<128x128xf32, #tpu.memory_space<vmem>>)
      %dma_start3A_226 = arith.constant 0 : i32
      %dma_start3A_227 = arith.constant 0 : i32
      %dma_start3A_228 = tpu.memref_slice %arg4[%add3A_219, %dma_start3A_226, %dma_start3A_227] : memref<50x4096x128xf32, #tpu.memory_space<hbm>> -> memref<1x4096x128xf32, #tpu.memory_space<hbm>>
      %dma_start3A_229 = tpu.memref_squeeze %dma_start3A_228 : memref<1x4096x128xf32, #tpu.memory_space<hbm>> -> memref<4096x128xf32, #tpu.memory_space<hbm>>
      %dma_start3A_230 = arith.constant 0 : i32
      %dma_start3A_231 = tpu.memref_slice %dma_start3A_229[%mul3A_2, %dma_start3A_230] : memref<4096x128xf32, #tpu.memory_space<hbm>> -> memref<128x128xf32, #tpu.memory_space<hbm>>
      %dma_start3A_232 = arith.constant 0 : i32
      %dma_start3A_233 = arith.constant 0 : i32
      %dma_start3A_234 = tpu.memref_slice %arg4[%add3A_219, %dma_start3A_232, %dma_start3A_233] : memref<50x4096x128xf32, #tpu.memory_space<hbm>> -> memref<1x4096x128xf32, #tpu.memory_space<hbm>>
      %dma_start3A_235 = tpu.memref_squeeze %dma_start3A_234 : memref<1x4096x128xf32, #tpu.memory_space<hbm>> -> memref<4096x128xf32, #tpu.memory_space<hbm>>
      %dma_start3A_236 = arith.constant 0 : i32
      %dma_start3A_237 = tpu.memref_slice %dma_start3A_235[%mul3A_2, %dma_start3A_236] : memref<4096x128xf32, #tpu.memory_space<hbm>> -> memref<128x128xf32, #tpu.memory_space<hbm>>
      tpu.enqueue_dma source(%arg10 : memref<128x128xf32, #tpu.memory_space<vmem>>) target(%dma_start3A_237 : memref<128x128xf32, #tpu.memory_space<hbm>>) target_semaphore(%arg20 : memref<!tpu.dma_semaphore, #tpu.memory_space<semaphore_mem>>)
      %add3A_238 = arith.constant 3 : i32
      %add3A_239 = arith.addi %add3A_219, %add3A_238 : i32
      %lt3A_240 = arith.constant 50 : i32
      %lt3A_241 = arith.cmpi slt, %add3A_239, %lt3A_240 : i32
      %convert_element_type3A_242 = arith.extui %lt3A_241 : i1 to i32
      %cond3A_243 = arith.constant 0 : i32
      %cond3A_244 = arith.cmpi ne, %convert_element_type3A_242, %cond3A_243 : i32
      scf.if %cond3A_244 {
        %ge3A = arith.constant 2 : i32
        %ge3A_245 = arith.cmpi sge, %add3A_219, %ge3A : i32
        %convert_element_type3A_246 = arith.extui %ge3A_245 : i1 to i32
        %cond3A_247 = arith.constant 0 : i32
        %cond3A_248 = arith.cmpi ne, %convert_element_type3A_246, %cond3A_247 : i32
        scf.if %cond3A_248 {
          %dma_wait3A_257 = arith.constant 0 : i32
          %dma_wait3A_258 = arith.constant 0 : i32
          %dma_wait3A_259 = arith.constant 0 : i32
          %dma_wait3A_260 = tpu.memref_slice %arg4[%dma_wait3A_257, %dma_wait3A_258, %dma_wait3A_259] : memref<50x4096x128xf32, #tpu.memory_space<hbm>> -> memref<1x4096x128xf32, #tpu.memory_space<hbm>>
          %dma_wait3A_261 = tpu.memref_squeeze %dma_wait3A_260 : memref<1x4096x128xf32, #tpu.memory_space<hbm>> -> memref<4096x128xf32, #tpu.memory_space<hbm>>
          %dma_wait3A_262 = arith.constant 0 : i32
          %dma_wait3A_263 = arith.constant 0 : i32
          %dma_wait3A_264 = tpu.memref_slice %dma_wait3A_261[%dma_wait3A_262, %dma_wait3A_263] : memref<4096x128xf32, #tpu.memory_space<hbm>> -> memref<128x128xf32, #tpu.memory_space<hbm>>
          %dma_wait3A_265 = arith.constant 0 : i32
          %dma_wait3A_266 = arith.constant 0 : i32
          %dma_wait3A_267 = tpu.memref_slice %arg4[%dma_wait3A_257, %dma_wait3A_265, %dma_wait3A_266] : memref<50x4096x128xf32, #tpu.memory_space<hbm>> -> memref<1x4096x128xf32, #tpu.memory_space<hbm>>
          %dma_wait3A_268 = tpu.memref_squeeze %dma_wait3A_267 : memref<1x4096x128xf32, #tpu.memory_space<hbm>> -> memref<4096x128xf32, #tpu.memory_space<hbm>>
          %dma_wait3A_269 = arith.constant 0 : i32
          %dma_wait3A_270 = arith.constant 0 : i32
          %dma_wait3A_271 = tpu.memref_slice %dma_wait3A_268[%dma_wait3A_269, %dma_wait3A_270] : memref<4096x128xf32, #tpu.memory_space<hbm>> -> memref<128x128xf32, #tpu.memory_space<hbm>>
          tpu.wait_dma2 semaphore(%arg18 : memref<!tpu.dma_semaphore, #tpu.memory_space<semaphore_mem>>) src(%arg8 : memref<128x128xf32, #tpu.memory_space<vmem>>) dst(%dma_wait3A_271 : memref<128x128xf32, #tpu.memory_space<hbm>>)
        } else {
        }
        %add3A_249 = arith.constant 3 : i32
        %add3A_250 = arith.addi %add3A_219, %add3A_249 : i32
        %dma_start3A_251 = arith.constant 0 : i32
        %dma_start3A_252 = tpu.memref_slice %arg5[%add3A_250, %dma_start3A_251] : memref<50x128xi32, #tpu.memory_space<vmem>> -> memref<1x128xi32, #tpu.memory_space<vmem>>
        %dma_start3A_253 = tpu.memref_squeeze %dma_start3A_252 : memref<1x128xi32, #tpu.memory_space<vmem>> -> memref<128xi32, #tpu.memory_space<vmem>>
        %dma_start3A_254 = arith.constant 0 : i32
        %dma_start3A_255 = arith.constant 0 : i32
        %dma_start3A_256 = tpu.memref_slice %arg3[%dma_start3A_254, %dma_start3A_255] : memref<100000x128xf32, #tpu.memory_space<hbm>> -> memref<100000x128xf32, #tpu.memory_space<hbm>>
        tpu.enqueue_indirect_dma source(%dma_start3A_256 : memref<100000x128xf32, #tpu.memory_space<hbm>>) target(%arg8 : memref<128x128xf32, #tpu.memory_space<vmem>>) offsets(%dma_start3A_253 : memref<128xi32, #tpu.memory_space<vmem>>) semaphore(%arg13 : memref<!tpu.dma_semaphore, #tpu.memory_space<semaphore_mem>>)
      } else {
      }
    }
    %scan3A_27 = arith.constant 10 : i32
    %dma_wait3A = arith.constant 0 : i32
    %dma_wait3A_28 = arith.constant 0 : i32
    %dma_wait3A_29 = arith.constant 0 : i32
    %dma_wait3A_30 = tpu.memref_slice %arg4[%dma_wait3A, %dma_wait3A_28, %dma_wait3A_29] : memref<50x4096x128xf32, #tpu.memory_space<hbm>> -> memref<1x4096x128xf32, #tpu.memory_space<hbm>>
    %dma_wait3A_31 = tpu.memref_squeeze %dma_wait3A_30 : memref<1x4096x128xf32, #tpu.memory_space<hbm>> -> memref<4096x128xf32, #tpu.memory_space<hbm>>
    %dma_wait3A_32 = arith.constant 0 : i32
    %dma_wait3A_33 = arith.constant 0 : i32
    %dma_wait3A_34 = tpu.memref_slice %dma_wait3A_31[%dma_wait3A_32, %dma_wait3A_33] : memref<4096x128xf32, #tpu.memory_space<hbm>> -> memref<128x128xf32, #tpu.memory_space<hbm>>
    %dma_wait3A_35 = arith.constant 0 : i32
    %dma_wait3A_36 = arith.constant 0 : i32
    %dma_wait3A_37 = tpu.memref_slice %arg4[%dma_wait3A, %dma_wait3A_35, %dma_wait3A_36] : memref<50x4096x128xf32, #tpu.memory_space<hbm>> -> memref<1x4096x128xf32, #tpu.memory_space<hbm>>
    %dma_wait3A_38 = tpu.memref_squeeze %dma_wait3A_37 : memref<1x4096x128xf32, #tpu.memory_space<hbm>> -> memref<4096x128xf32, #tpu.memory_space<hbm>>
    %dma_wait3A_39 = arith.constant 0 : i32
    %dma_wait3A_40 = arith.constant 0 : i32
    %dma_wait3A_41 = tpu.memref_slice %dma_wait3A_38[%dma_wait3A_39, %dma_wait3A_40] : memref<4096x128xf32, #tpu.memory_space<hbm>> -> memref<128x128xf32, #tpu.memory_space<hbm>>
    tpu.wait_dma2 semaphore(%arg16 : memref<!tpu.dma_semaphore, #tpu.memory_space<semaphore_mem>>) src(%arg6 : memref<128x128xf32, #tpu.memory_space<vmem>>) dst(%dma_wait3A_41 : memref<128x128xf32, #tpu.memory_space<hbm>>)
    %dma_wait3A_42 = arith.constant 0 : i32
    %dma_wait3A_43 = arith.constant 0 : i32
    %dma_wait3A_44 = arith.constant 0 : i32
    %dma_wait3A_45 = tpu.memref_slice %arg4[%dma_wait3A_42, %dma_wait3A_43, %dma_wait3A_44] : memref<50x4096x128xf32, #tpu.memory_space<hbm>> -> memref<1x4096x128xf32, #tpu.memory_space<hbm>>
    %dma_wait3A_46 = tpu.memref_squeeze %dma_wait3A_45 : memref<1x4096x128xf32, #tpu.memory_space<hbm>> -> memref<4096x128xf32, #tpu.memory_space<hbm>>
    %dma_wait3A_47 = arith.constant 0 : i32
    %dma_wait3A_48 = arith.constant 0 : i32
    %dma_wait3A_49 = tpu.memref_slice %dma_wait3A_46[%dma_wait3A_47, %dma_wait3A_48] : memref<4096x128xf32, #tpu.memory_space<hbm>> -> memref<128x128xf32, #tpu.memory_space<hbm>>
    %dma_wait3A_50 = arith.constant 0 : i32
    %dma_wait3A_51 = arith.constant 0 : i32
    %dma_wait3A_52 = tpu.memref_slice %arg4[%dma_wait3A_42, %dma_wait3A_50, %dma_wait3A_51] : memref<50x4096x128xf32, #tpu.memory_space<hbm>> -> memref<1x4096x128xf32, #tpu.memory_space<hbm>>
    %dma_wait3A_53 = tpu.memref_squeeze %dma_wait3A_52 : memref<1x4096x128xf32, #tpu.memory_space<hbm>> -> memref<4096x128xf32, #tpu.memory_space<hbm>>
    %dma_wait3A_54 = arith.constant 0 : i32
    %dma_wait3A_55 = arith.constant 0 : i32
    %dma_wait3A_56 = tpu.memref_slice %dma_wait3A_53[%dma_wait3A_54, %dma_wait3A_55] : memref<4096x128xf32, #tpu.memory_space<hbm>> -> memref<128x128xf32, #tpu.memory_space<hbm>>
    tpu.wait_dma2 semaphore(%arg17 : memref<!tpu.dma_semaphore, #tpu.memory_space<semaphore_mem>>) src(%arg7 : memref<128x128xf32, #tpu.memory_space<vmem>>) dst(%dma_wait3A_56 : memref<128x128xf32, #tpu.memory_space<hbm>>)
    %dma_wait3A_57 = arith.constant 0 : i32
    %dma_wait3A_58 = arith.constant 0 : i32
    %dma_wait3A_59 = arith.constant 0 : i32
    %dma_wait3A_60 = tpu.memref_slice %arg4[%dma_wait3A_57, %dma_wait3A_58, %dma_wait3A_59] : memref<50x4096x128xf32, #tpu.memory_space<hbm>> -> memref<1x4096x128xf32, #tpu.memory_space<hbm>>
    %dma_wait3A_61 = tpu.memref_squeeze %dma_wait3A_60 : memref<1x4096x128xf32, #tpu.memory_space<hbm>> -> memref<4096x128xf32, #tpu.memory_space<hbm>>
    %dma_wait3A_62 = arith.constant 0 : i32
    %dma_wait3A_63 = arith.constant 0 : i32
    %dma_wait3A_64 = tpu.memref_slice %dma_wait3A_61[%dma_wait3A_62, %dma_wait3A_63] : memref<4096x128xf32, #tpu.memory_space<hbm>> -> memref<128x128xf32, #tpu.memory_space<hbm>>
    %dma_wait3A_65 = arith.constant 0 : i32
    %dma_wait3A_66 = arith.constant 0 : i32
    %dma_wait3A_67 = tpu.memref_slice %arg4[%dma_wait3A_57, %dma_wait3A_65, %dma_wait3A_66] : memref<50x4096x128xf32, #tpu.memory_space<hbm>> -> memref<1x4096x128xf32, #tpu.memory_space<hbm>>
    %dma_wait3A_68 = tpu.memref_squeeze %dma_wait3A_67 : memref<1x4096x128xf32, #tpu.memory_space<hbm>> -> memref<4096x128xf32, #tpu.memory_space<hbm>>
    %dma_wait3A_69 = arith.constant 0 : i32
    %dma_wait3A_70 = arith.constant 0 : i32
    %dma_wait3A_71 = tpu.memref_slice %dma_wait3A_68[%dma_wait3A_69, %dma_wait3A_70] : memref<4096x128xf32, #tpu.memory_space<hbm>> -> memref<128x128xf32, #tpu.memory_space<hbm>>
    tpu.wait_dma2 semaphore(%arg18 : memref<!tpu.dma_semaphore, #tpu.memory_space<semaphore_mem>>) src(%arg8 : memref<128x128xf32, #tpu.memory_space<vmem>>) dst(%dma_wait3A_71 : memref<128x128xf32, #tpu.memory_space<hbm>>)
    %dma_wait3A_72 = arith.constant 0 : i32
    %dma_wait3A_73 = arith.constant 0 : i32
    %dma_wait3A_74 = arith.constant 0 : i32
    %dma_wait3A_75 = tpu.memref_slice %arg4[%dma_wait3A_72, %dma_wait3A_73, %dma_wait3A_74] : memref<50x4096x128xf32, #tpu.memory_space<hbm>> -> memref<1x4096x128xf32, #tpu.memory_space<hbm>>
    %dma_wait3A_76 = tpu.memref_squeeze %dma_wait3A_75 : memref<1x4096x128xf32, #tpu.memory_space<hbm>> -> memref<4096x128xf32, #tpu.memory_space<hbm>>
    %dma_wait3A_77 = arith.constant 0 : i32
    %dma_wait3A_78 = arith.constant 0 : i32
    %dma_wait3A_79 = tpu.memref_slice %dma_wait3A_76[%dma_wait3A_77, %dma_wait3A_78] : memref<4096x128xf32, #tpu.memory_space<hbm>> -> memref<128x128xf32, #tpu.memory_space<hbm>>
    %dma_wait3A_80 = arith.constant 0 : i32
    %dma_wait3A_81 = arith.constant 0 : i32
    %dma_wait3A_82 = tpu.memref_slice %arg4[%dma_wait3A_72, %dma_wait3A_80, %dma_wait3A_81] : memref<50x4096x128xf32, #tpu.memory_space<hbm>> -> memref<1x4096x128xf32, #tpu.memory_space<hbm>>
    %dma_wait3A_83 = tpu.memref_squeeze %dma_wait3A_82 : memref<1x4096x128xf32, #tpu.memory_space<hbm>> -> memref<4096x128xf32, #tpu.memory_space<hbm>>
    %dma_wait3A_84 = arith.constant 0 : i32
    %dma_wait3A_85 = arith.constant 0 : i32
    %dma_wait3A_86 = tpu.memref_slice %dma_wait3A_83[%dma_wait3A_84, %dma_wait3A_85] : memref<4096x128xf32, #tpu.memory_space<hbm>> -> memref<128x128xf32, #tpu.memory_space<hbm>>
    tpu.wait_dma2 semaphore(%arg19 : memref<!tpu.dma_semaphore, #tpu.memory_space<semaphore_mem>>) src(%arg9 : memref<128x128xf32, #tpu.memory_space<vmem>>) dst(%dma_wait3A_86 : memref<128x128xf32, #tpu.memory_space<hbm>>)
    %dma_wait3A_87 = arith.constant 0 : i32
    %dma_wait3A_88 = arith.constant 0 : i32
    %dma_wait3A_89 = arith.constant 0 : i32
    %dma_wait3A_90 = tpu.memref_slice %arg4[%dma_wait3A_87, %dma_wait3A_88, %dma_wait3A_89] : memref<50x4096x128xf32, #tpu.memory_space<hbm>> -> memref<1x4096x128xf32, #tpu.memory_space<hbm>>
    %dma_wait3A_91 = tpu.memref_squeeze %dma_wait3A_90 : memref<1x4096x128xf32, #tpu.memory_space<hbm>> -> memref<4096x128xf32, #tpu.memory_space<hbm>>
    %dma_wait3A_92 = arith.constant 0 : i32
    %dma_wait3A_93 = arith.constant 0 : i32
    %dma_wait3A_94 = tpu.memref_slice %dma_wait3A_91[%dma_wait3A_92, %dma_wait3A_93] : memref<4096x128xf32, #tpu.memory_space<hbm>> -> memref<128x128xf32, #tpu.memory_space<hbm>>
    %dma_wait3A_95 = arith.constant 0 : i32
    %dma_wait3A_96 = arith.constant 0 : i32
    %dma_wait3A_97 = tpu.memref_slice %arg4[%dma_wait3A_87, %dma_wait3A_95, %dma_wait3A_96] : memref<50x4096x128xf32, #tpu.memory_space<hbm>> -> memref<1x4096x128xf32, #tpu.memory_space<hbm>>
    %dma_wait3A_98 = tpu.memref_squeeze %dma_wait3A_97 : memref<1x4096x128xf32, #tpu.memory_space<hbm>> -> memref<4096x128xf32, #tpu.memory_space<hbm>>
    %dma_wait3A_99 = arith.constant 0 : i32
    %dma_wait3A_100 = arith.constant 0 : i32
    %dma_wait3A_101 = tpu.memref_slice %dma_wait3A_98[%dma_wait3A_99, %dma_wait3A_100] : memref<4096x128xf32, #tpu.memory_space<hbm>> -> memref<128x128xf32, #tpu.memory_space<hbm>>
    tpu.wait_dma2 semaphore(%arg20 : memref<!tpu.dma_semaphore, #tpu.memory_space<semaphore_mem>>) src(%arg10 : memref<128x128xf32, #tpu.memory_space<vmem>>) dst(%dma_wait3A_101 : memref<128x128xf32, #tpu.memory_space<hbm>>)
    return
  }
}

</mosaic_0001>

<sc_bundles>
// kernel: kernel.3.cloned.1.call-start
scs
__scs_entry_jumppad:
0x0: {  	(pc) =	sbr.rel $0x88, $3  }
0x1: {  	(tag) =	ssettag $0x0;
	lr =	simm.s32 $0x1  }
0x2: {  	[smem:$0x3F9F] =	sst lr;
	_ =	strace $0xD0000000  }
0x3: {  	_ = 	snop  }
0x4: {  	_ = 	snop  }
0x5: {  	_ = 	snop  }
0x6: {  	_ = 	snop  }
0x7: {  	_ = 	snop  }
__scs_overlays_trampoline_lowered:
0x8: {  	[smem:$0x3FAE] =	sst s0  }
0x9: {  	[smem:$0x3FAF] =	sst s1  }
0xa: {  	[smem:$0x3FB0] =	sst s2  }
0xb: {  	[smem:$0x3FB1] =	sst s3  }
0xc: {  	[smem:$0x3FB2] =	sst s4  }
0xd: {  	[smem:$0x3FB3] =	sst s5  }
0xe: {  	[smem:$0x3FB4] =	sst s6  }
0xf: {  	[smem:$0x3FB5] =	sst s7  }
0x10: {  	[smem:$0x3FB6] =	sst s8  }
0x11: {  	[smem:$0x3FB7] =	sst s9;
	s0 =	simm.s32 @!p0 $0x0  }
0x12: {  	s1 =	sld [smem:$0x3F9D];
	s0 =	simm.s32 @p0 $0x1  }
0x13: {  	[smem:$0x3FB8] =	sst s0;
	s0 =	simm.s32 @!p1 $0x0  }
0x14: {  	s2 =	sld [smem:$0x3F9C];
	s0 =	simm.s32 @p1 $0x1  }
0x15: {  	[smem:$0x3FB9] =	sst s0;
	s0 =	simm.s32 @!p2 $0x0  }
0x16: {  	s3 =	sld [smem:$0x3FDB];
	s0 =	simm.s32 @p2 $0x1  }
0x17: {  	s4 =	simm.s32 $0x1BF5;
	[smem:$0x3FBB] =	sst s0  }
0x18: {  	s0 =	sld [smem:$0x3F9E];
	_ =	swait.ge [sflag:s4], $0x0  }
0x19: {  	s7 =	sld [smem:$0x3F9F]  }
0x1a: {  	s8 =	sadd.s32 $0xFFFFE003, lr  }
0x1b: {  	s9 =	sadd.s32 $0xFFFFFEF7, lr;
	s5 =	simm.s32 $0xFFFFFFFF;
	p2 =	slt.u32 s8, $0xFFFFF086  }
0x1c: {  	p1 =	slt.u32 s9, $0xF7A;
	s5 =	simm.s32 @!p2 $0x0  }
0x1d: {  	s5 =	simm.s32 @p1 $0x1;
	p0 =	seq.s32 s7, s2  }
0x1e: {  	s7 =	smul.u32 @!p0 $0xF7A, s2;
	p2 =	seq.s32 @!p0 s5, $0x0  }
0x1f: {  	s9 =	smul.u32 $0xF7A, s1;
	s8 =	simm.s32 @!p0 $0x1BF5;
	p2 =	por !p2, p0  }
0x20: {  	[sflag:s8] =	ssyncset.s32 @!p0 $0xFFFFF086;
	s6 =	sadd.s32 @!p0 s3, s7;
	s7 =	simm.s32 @!p0 $0x108  }
0x21: {  	s3 =	sadd.s32 s3, s9;
	s6 =	sadd.s32 @!p0 $0x88, s6;
	s7 =	simm.s32 @p2 $0x1082  }
0x22: {  	[simem:s7], [sflag:s8] =	dma.local @!p0 [hbm:s6], $0xF7A  }
0x23: {  	s9 =	sor.u32 $0xD0000000, s2;
	s6 =	simm.s32 $0x108;
	_ =	swait.ge @!p0 [sflag:s8], $0x0  }
0x24: {  	s3 =	sadd.s32 $0x88, s3;
	s6 =	simm.s32 @!p1 $0x1082;
	[sflag:s4] =	ssyncset.s32 $0xFFFFF086  }
0x25: {  	[simem:s6], [sflag:s4] =	dma.local [hbm:s3], $0xF7A  }
0x26: {  	[smem:$0x3F9F] =	sst s1;
	(tag) =	ssettag s2;
	_ =	strace s9  }
0x27: {  	s1 =	sld [smem:$0x3FAF]  }
0x28: {  	s2 =	sld [smem:$0x3FB0]  }
0x29: {  	s4 =	sld [smem:$0x3FB2]  }
0x2a: {  	p0 =	seq.s32 s5, $0x0;
	s5 =	sld [smem:$0x3FB3]  }
0x2b: {  	s6 =	sld [smem:$0x3FB4]  }
0x2c: {  	s7 =	sld [smem:$0x3FB5]  }
0x2d: {  	s3 =	simm.s32 $0x108;
	s8 =	sld [smem:$0x3FB6]  }
0x2e: {  	s3 =	simm.s32 @!p0 $0x1082;
	s9 =	sld [smem:$0x3FB7]  }
0x2f: {  	lr =	sadd.s32 s0, s3;
	s0 =	sld [smem:$0x3FAE]  }
0x30: {  	s3 =	sld [smem:$0x3FB1]  }
0x31: {  	[smem:$0x3FBA] =	sst s10  }
0x32: {  	s10 =	sld [smem:$0x3FB8];
	_ =	sdelay $0x3  }
0x33: {  	p0 =	seq.s32 s10, $0x1;
	s10 =	sld [smem:$0x3FBA];
	_ =	sdelay $0x3  }
0x34: {  	[smem:$0x3FBA] =	sst s10  }
0x35: {  	s10 =	sld [smem:$0x3FB9];
	_ =	sdelay $0x3  }
0x36: {  	p1 =	seq.s32 s10, $0x1;
	s10 =	sld [smem:$0x3FBA];
	_ =	sdelay $0x3  }
0x37: {  	[smem:$0x3FBA] =	sst s10  }
0x38: {  	s10 =	sld [smem:$0x3FBB]  }
0x39: {  	_ = 	snop;
	(pc) =	sbr.ind lr, $3  }
0x3a: {  	_ = 	snop  }
0x3b: {  	_ = 	snop  }
0x3c: {  	p2 =	seq.s32 s10, $0x1;
	s10 =	sld [smem:$0x3FBA]  }
0x3d: {  	_ =	shalt  }
0x3e: {  	_ =	shalt  }
0x3f: {  	_ =	shalt  }
0x40: {  	_ =	shalt  }
0x41: {  	_ =	shalt  }
0x42: {  	_ =	shalt  }
0x43: {  	_ =	shalt  }
0x44: {  	_ =	shalt  }
0x45: {  	_ =	shalt  }
0x46: {  	_ =	shalt  }
0x47: {  	_ =	shalt  }
0x48: {  	_ =	shalt  }
0x49: {  	_ =	shalt  }
0x4a: {  	_ =	shalt  }
0x4b: {  	_ =	shalt  }
0x4c: {  	_ =	shalt  }
0x4d: {  	_ =	shalt  }
0x4e: {  	_ =	shalt  }
0x4f: {  	_ =	shalt  }
0x50: {  	_ =	shalt  }
0x51: {  	_ =	shalt  }
0x52: {  	_ =	shalt  }
0x53: {  	_ =	shalt  }
0x54: {  	_ =	shalt  }
0x55: {  	_ =	shalt  }
0x56: {  	_ =	shalt  }
0x57: {  	_ =	shalt  }
0x58: {  	_ =	shalt  }
0x59: {  	_ =	shalt  }
0x5a: {  	_ =	shalt  }
0x5b: {  	_ =	shalt  }
0x5c: {  	_ =	shalt  }
0x5d: {  	_ =	shalt  }
0x5e: {  	_ =	shalt  }
0x5f: {  	_ =	shalt  }
0x60: {  	_ =	shalt  }
0x61: {  	_ =	shalt  }
0x62: {  	_ =	shalt  }
0x63: {  	_ =	shalt  }
0x64: {  	_ =	shalt  }
0x65: {  	_ =	shalt  }
0x66: {  	_ =	shalt  }
0x67: {  	_ =	shalt  }
0x68: {  	_ =	shalt  }
0x69: {  	_ =	shalt  }
0x6a: {  	_ =	shalt  }
0x6b: {  	_ =	shalt  }
0x6c: {  	_ =	shalt  }
0x6d: {  	_ =	shalt  }
0x6e: {  	_ =	shalt  }
0x6f: {  	_ =	shalt  }
0x70: {  	_ =	shalt  }
0x71: {  	_ =	shalt  }
0x72: {  	_ =	shalt  }
0x73: {  	_ =	shalt  }
0x74: {  	_ =	shalt  }
0x75: {  	_ =	shalt  }
0x76: {  	_ =	shalt  }
0x77: {  	_ =	shalt  }
0x78: {  	_ =	shalt  }
0x79: {  	_ =	shalt  }
0x7a: {  	_ =	shalt  }
0x7b: {  	_ =	shalt  }
0x7c: {  	_ =	shalt  }
0x7d: {  	_ =	shalt  }
0x7e: {  	_ =	shalt  }
0x7f: {  	_ =	shalt  }
0x80: {  	_ =	shalt  }
0x81: {  	_ =	shalt  }
0x82: {  	_ =	shalt  }
0x83: {  	_ =	shalt  }
0x84: {  	_ =	shalt  }
0x85: {  	_ =	shalt  }
0x86: {  	_ =	shalt  }
0x87: {  	_ =	shalt  }
.Lfunc_end0:
.L_simem_size_0:
called_computation_lowered:
.L_overlay_start_0:
0x88: {  	s2 =	sld [smem:$0x3FD9]  }
0x89: {  	s3 =	sld [smem:$0x3FFE];
	_ =	sdelay $0x1  }
0x8a: {  	s1 =	srdreg.scid  }
0x8b: {  	s0 =	sand.u32 $0x1, s1  }
0x8c: {  	s18 =	sshll.u32 s0, $0xA;
	s2 =	sadd.s32 s3, s2  }
0x8d: {  	s2 =	sadd.s32 s2, s18  }
0x8e: {  	[smem:$0x3FC6] =	sst s2  }
0x8f: {  	_ = 	snop  }
0x90: {  	s2 =	sld [smem:$0x3FC9]  }
0x91: {  	s19 =	sld [smem:$0x3FC8]  }
0x92: {  	s4 =	sld [smem:$0x3FD0];
	(tm) =	ssettm $0x1  }
0x93: {  	s5 =	sld [smem:$0x3FFB];
	_ =	sdelay $0x3  }
0x94: {  	_ =	strace s5  }
0x95: {  	s5 =	sld [smem:$0x3FFC];
	_ =	sdelay $0x3  }
0x96: {  	_ =	strace s5  }
0x97: {  	s5 =	sld [smem:$0x3FFD];
	_ =	sdelay $0x3  }
0x98: {  	_ =	strace s5  }
0x99: {  	_ =	strace $0x8FFFFFFF  }
0x9a: {  	s20 =	sld [smem:$0x3FDB];
	_ =	sdelay $0x1  }
0x9b: {  	s6 =	simm.s32 $_scs_section_size  }
0x9c: {  	s7 =	simm.s32 $_size__tile_overlayer_lowered;
	s8 =	simm.s32 $_tile_overlayer_lowered  }
0x9d: {  	s23 =	simm.s32 $0x1BFF;
	s22 =	sshll.u32 s8, $0x1;
	s5 =	sadd.s32 s6, s20  }
0x9e: {  	s9 =	simm.s32 $0x0;
	s21 =	sshll.u32 s7, $0x1;
	s7 =	sadd.s32 s22, s5  }
0x9f: {  	[timem:s9], [sflag:s23] =	dma.local [hbm:s7], s21  }
0xa0: {  	_ =	swait.ge [sflag:s23], s21  }
0xa1: {  	s6 =	ssub.s32 $0x0, s21;
	[sflag:s23] =	ssyncset.done $0x0  }
0xa2: {  	[sflag:s23] =	ssyncadd.s32 s6;
	_ =	sdelay $0x1  }
0xa3: {  	s24 =	simm.s32 $0x1B8B  }
0xa4: {  	_ =	swait.ge [sflag:s24], $0x1  }
0xa5: {  	[sflag:s24] =	ssyncset.done $0x0  }
0xa6: {  	s25 =	simm.s32 $0x1B8E;
	[sflag:s24] =	ssyncadd.s32 $0xFFFFFFFF  }
0xa7: {  	s26 =	simm.s32 $execute0_lowered;
	[smem:$0x3FD2] =	sst s25  }
0xa8: {  	s6 =	sshll.u32 s26, $0x1;
	_ =	strace $0x80000046;
	[dreg:$0x1] =	wrdreg $0xFFFFFFFF  }
0xa9: {  	s28 =	simm.s32 $_size_execute0_lowered;
	s5 =	sadd.s32 s5, s6;
	[dreg:$0x0] =	wrdreg $0x0  }
0xaa: {  	s6 =	sshll.u32 s28, $0x1;
	[dreg:$0x2] =	wrdreg s5  }
0xab: {  	[dreg:$0x3] =	wrdreg s6  }
0xac: {  	[dreg:$0x4] =	wrdreg $0xC0  }
0xad: {  	_ =	task [dreg:s9], $0x5FFFF  }
0xae: {  	[dreg:$0x1] =	wrdreg $0xFFFFFFFF  }
0xaf: {  	[dreg:$0x0] =	wrdreg $0x60  }
0xb0: {  	[dreg:$0x2] =	wrdreg s2  }
0xb1: {  	[dreg:$0x3] =	wrdreg s19  }
0xb2: {  	[dreg:$0x4] =	wrdreg s4  }
0xb3: {  	[dreg:$0x5] =	wrdreg $0x9  }
0xb4: {  	_ =	task.clear_ibuf [dreg:s9], $0x6FFFF;
	_ =	strace $0x90000046  }
0xb5: {  	s29 =	simm.s32 $0x9;
	_ =	strace $0x80000048  }
0xb6: {  	_ =	swait.ge [sflag:s29], $0x1  }
0xb7: {  	[sflag:s29] =	ssyncadd.s32 $0xFFFFFFFF  }
0xb8: {  	_ =	strace $0x90000048  }
0xb9: {  	_ =	sfence  }
0xba: {  	s30 =	sld [smem:$0x0];
	_ =	sdelay $0x2  }
0xbb: {  	s31 =	sshll.u32 s1, $0xD;
	s1 =	sshrl.u32 s1, $0x2  }
0xbc: {  	s3 =	sand.u32 $0x4000, s31;
	s1 =	sadd.s32 s1, s30  }
0xbd: {  	s0 =	sor.u32 s3, s0;
	s1 =	sshll.u32 s1, $0x11  }
0xbe: {  	s0 =	sor.u32 s1, s0  }
0xbf: {  	s0 =	sadd.s32 $0x8F2B, s0  }
0xc0: {  	[sflag:s0] =	ssyncadd.remote.s32 $0x1  }
0xc1: {  	_ =	sfence.sel $0xFFFF  }
0xc2: {  	[dreg:$0x0] =	wrdreg $0xFFFFFFFF;
	(pc) =	sbr.abs _section_cstart, $3  }
0xc3: {  	[dreg:$0x1] =	wrdreg $0xFFFFFFFF  }
0xc4: {  	_ =	task.clear_ibuf [dreg:s9], $0x2FFFF;
	_ =	strace $0x9FFFFFFF  }
0xc5: {  	(tm) =	ssettm $0x7FFFFFFF  }
tec
execute0_lowered:
.L_overlay_start_1:
0x0: {  	(tag) =	ssettag $0x1  }
0x1: {  	s0 =	rddreg [dreg:$0x0]  }
0x2: {  	s2 =	rddreg [dreg:$0x1]  }
0x3: {  	s1 =	rddreg [dreg:$0x2]  }
0x4: {  	s3 =	srdreg.scid;
	s5 =	stileid.u32  }
0x5: {  	s12 =	simm.s32 $0xB;
	s13 =	simm.s32 $0x80;
	s14 =	simm.s32 $0x1C00  }
0x6: {  	s15 =	simm.s32 $0x5C00;
	s17 =	simm.s32 $0x9C00;
	s18 =	simm.s32 $0x1  }
0x7: {  	s19 =	simm.s32 $0xDC00;
	s20 =	simm.s32 $0x2;
	s21 =	simm.s32 $0x11C00  }
0x8: {  	s22 =	simm.s32 $0x3;
	s23 =	simm.s32 $0x4;
	s28 =	simm.s32 $0x8  }
0x9: {  	s29 =	simm.s32 $0x9;
	s30 =	simm.s32 $0xA;
	s31 =	simm.s32 $0x0  }
0xa: {  	s4 =	sand.u32 $0x1, s3;
	s3 =	simm.s32 $0x0;
	s5 =	sshll.u32 s5, $0x8  }
0xb: {  	s6 =	sshll.u32 s4, $0x7;
	[smem:$0x7FF] =	sst s3;
	s7 =	ssub.s32 $0x2, s4  }
.Ltmp0:
0xc: {  	s6 =	sor.u32 s6, s5;
	s24 =	sshrl.u32 s7, $0x1;
	(pc) =	sbr.rel .LBB2_1-.Ltmp0, $4  }
0xd: {  	_ =	strace $0x80000047;
	s4 =	sadd.s32 s0, s6;
	s25 =	ssub.s32 s7, s24  }
0xe: {  	s6 =	sshll.u32 s6, $0x4;
	s24 =	simm.s32 $0x5;
	s26 =	sadd.s32 $0x6000, s4  }
0xf: {  	s0 =	smax.u32 s25, $0x1;
	s25 =	simm.s32 $0x6;
	[dreg:$0x4] =	wrdreg s26  }
0x10: {  	[dreg:$0x5] =	wrdreg s0;
	s0 =	sadd.s32 $0x40000, s1;
	s26 =	simm.s32 $0x7  }
.LBB2_4:
0x11: {  	_ =	swait.ge [sflag:s25], $0x4000  }
0x12: {  	[sflag:s25] =	ssyncset.done $0x0  }
0x13: {  	[sflag:s25] =	ssyncadd.s32 $0xFFFFC000  }
0x14: {  	_ =	swait.ge [sflag:s26], $0x4000  }
0x15: {  	[sflag:s26] =	ssyncset.done $0x0  }
0x16: {  	[sflag:s26] =	ssyncadd.s32 $0xFFFFC000  }
0x17: {  	_ =	swait.ge [sflag:s28], $0x4000  }
0x18: {  	[sflag:s28] =	ssyncset.done $0x0  }
0x19: {  	[sflag:s28] =	ssyncadd.s32 $0xFFFFC000  }
0x1a: {  	_ =	swait.ge [sflag:s29], $0x4000  }
0x1b: {  	[sflag:s29] =	ssyncset.done $0x0  }
0x1c: {  	[sflag:s29] =	ssyncadd.s32 $0xFFFFC000  }
0x1d: {  	_ =	swait.ge [sflag:s30], $0x4000  }
0x1e: {  	s31 =	sadd.s32 $0x1, s31;
	s1 =	rddreg [dreg:$0x5]  }
0x1f: {  	p0 =	sne.s32 s31, s1  }
.Ltmp1:
0x20: {  	_ = 	snop;
	(pc) =	sbr.rel @!p0 .LBB2_5-.Ltmp1, $3  }
0x21: {  	_ =	sdelay $0x1  }
0x22: {  	[sflag:s30] =	ssyncset.done $0x0  }
0x23: {  	[sflag:s30] =	ssyncadd.s32 $0xFFFFC000  }
.LBB2_1:
0x24: {  	s1 =	simm.s32 $0x400;
	s5 =	simm.s32 $0x8000  }
0x25: {  	[tilespmem:s3], [sflag:$0xB] =	stream.strided.gather [hbm4b:s4+s1], $0x1800, s5, s1, $0x38;
	[tilespmem:$0x15C00] =	vst v63  }
0x26: {  	s10 =	rddreg [dreg:$0x4];
	s11 =	simm.s32 $0x1800  }
0x27: {  	[tilespmem:s11], [sflag:$0xB] =	stream.linear.gather [hbm4b:s10+s3], $0x100, $0x38;
	[tilespmem:$0x15C00] =	vst v63  }
0x28: {  	_ =	swait.ge [sflag:s12], $0x1900  }
0x29: {  	[sflag:s12] =	ssyncset.done $0x0  }
0x2a: {  	[sflag:s12] =	ssyncadd.s32 $0xFFFFE700  }
0x2b: {  	[tilespmem:s14], [sflag:$0x1] =	stream.indirect.gather [hbm4b:s2+s13], $0x80, s3, s13, $0xb8;
	[tilespmem:$0x15C00] =	vst v63  }
0x2c: {  	_ = 	snop  }
0x2d: {  	[tilespmem:s15], [sflag:$0x2] =	stream.indirect.gather [hbm4b:s2+s13], $0x80, s13, s13, $0xb8;
	[tilespmem:$0x15C00] =	vst v63  }
0x2e: {  	s16 =	simm.s32 $0x100;
	s8 =	smov.u32 s0;
	s1 =	simm.s32 $0x0  }
0x2f: {  	[tilespmem:s17], [sflag:$0x3] =	stream.indirect.gather [hbm4b:s2+s13], $0x80, s16, s13, $0xb8;
	[tilespmem:$0x15C00] =	vst v63  }
.LBB2_2:
0x30: {  	_ =	swait.ge [sflag:s18], $0x4000  }
0x31: {  	s10 =	sadd.s32 s6, s8;
	p0 =	seq.s32 s1, $0x0;
	[sflag:s18] =	ssyncset.done $0x0  }
0x32: {  	s9 =	sadd.s32 $0xFFFC0000, s10;
	s11 =	simm.s32 @!p0 $0x9;
	[sflag:s18] =	ssyncadd.s32 $0xFFFFC000  }
0x33: {  	[hbm4b:s9+s3] =	stream.linear.scatter [tilespmem:s14], [sflag:$0x6], $0x4000, $0x38;
	[tilespmem:$0x15C00] =	vst v63  }
0x34: {  	_ =	swait.ge @!p0 [sflag:s11], $0x4000  }
0x35: {  	s9 =	sshra.s32 s1, $0x2;
	[sflag:s11] =	ssyncset.done @!p0 $0x0  }
0x36: {  	s7 =	sadd.s32 $0x180, s9;
	[sflag:s11] =	ssyncadd.s32 @!p0 $0xFFFFC000  }
0x37: {  	[tilespmem:s19], [sflag:$0x4] =	stream.indirect.gather [hbm4b:s2+s13], $0x80, s7, s13, $0xb8;
	[tilespmem:$0x15C00] =	vst v63  }
0x38: {  	_ =	swait.ge [sflag:s20], $0x4000  }
0x39: {  	[sflag:s20] =	ssyncset.done $0x0  }
0x3a: {  	s16 =	sadd.s32 $0xFFFD0000, s10;
	s11 =	simm.s32 @!p0 $0xA;
	[sflag:s20] =	ssyncadd.s32 $0xFFFFC000  }
0x3b: {  	[hbm4b:s16+s3] =	stream.linear.scatter [tilespmem:s15], [sflag:$0x7], $0x4000, $0x38;
	[tilespmem:$0x15C00] =	vst v63  }
0x3c: {  	_ =	swait.ge @!p0 [sflag:s11], $0x4000  }
0x3d: {  	[sflag:s11] =	ssyncset.done @!p0 $0x0  }
0x3e: {  	s5 =	sadd.s32 $0x200, s9;
	[sflag:s11] =	ssyncadd.s32 @!p0 $0xFFFFC000  }
0x3f: {  	[tilespmem:s21], [sflag:$0x5] =	stream.indirect.gather [hbm4b:s2+s13], $0x80, s5, s13, $0xb8;
	[tilespmem:$0x15C00] =	vst v63  }
0x40: {  	_ =	swait.ge [sflag:s22], $0x4000  }
0x41: {  	p0 =	seq.s32 s1, $0x5A00;
	[sflag:s22] =	ssyncset.done $0x0  }
0x42: {  	s7 =	sadd.s32 $0xFFFE0000, s10;
	s11 =	simm.s32 @!p0 $0x6;
	[sflag:s22] =	ssyncadd.s32 $0xFFFFC000  }
0x43: {  	[hbm4b:s7+s3] =	stream.linear.scatter [tilespmem:s17], [sflag:$0x8], $0x4000, $0x38;
	[tilespmem:$0x15C00] =	vst v63  }
0x44: {  	_ =	swait.ge @!p0 [sflag:s11], $0x4000  }
0x45: {  	[sflag:s11] =	ssyncset.done @!p0 $0x0  }
0x46: {  	[sflag:s11] =	ssyncadd.s32 @!p0 $0xFFFFC000;
	s11 =	sshra.s32 @!p0 s1, $0x2  }
0x47: {  	s5 =	simm.s32 @!p0 $0x80;
	s7 =	simm.s32 @!p0 $0x1C00;
	s16 =	sadd.s32 @!p0 $0x280, s11  }
0x48: {  	[tilespmem:s7], [sflag:$0x1] =	stream.indirect.gather @!p0 [hbm4b:s2+s5], $0x80, s16, s5, $0xb8;
	[tilespmem:$0x15C00] =	vst v63  }
0x49: {  	_ =	swait.ge [sflag:s23], $0x4000  }
0x4a: {  	[sflag:s23] =	ssyncset.done $0x0  }
0x4b: {  	s16 =	sadd.s32 $0xFFFF0000, s10;
	s7 =	simm.s32 @!p0 $0x7;
	[sflag:s23] =	ssyncadd.s32 $0xFFFFC000  }
0x4c: {  	[hbm4b:s16+s3] =	stream.linear.scatter [tilespmem:s19], [sflag:$0x9], $0x4000, $0x38;
	[tilespmem:$0x15C00] =	vst v63  }
0x4d: {  	_ =	swait.ge @!p0 [sflag:s7], $0x4000  }
0x4e: {  	[sflag:s7] =	ssyncset.done @!p0 $0x0  }
0x4f: {  	[sflag:s7] =	ssyncadd.s32 @!p0 $0xFFFFC000;
	s7 =	sadd.s32 @!p0 $0x300, s11;
	s11 =	simm.s32 @!p0 $0x5C00  }
0x50: {  	[tilespmem:s11], [sflag:$0x2] =	stream.indirect.gather @!p0 [hbm4b:s2+s5], $0x80, s7, s5, $0xb8;
	[tilespmem:$0x15C00] =	vst v63  }
.Ltmp2:
0x51: {  	_ = 	snop;
	(pc) =	sbr.rel @p0 .LBB2_4-.Ltmp2, $4  }
0x52: {  	_ =	swait.ge [sflag:s24], $0x4000  }
0x53: {  	[sflag:s24] =	ssyncset.done $0x0  }
0x54: {  	[sflag:s24] =	ssyncadd.s32 $0xFFFFC000  }
0x55: {  	[hbm4b:s10+s3] =	stream.linear.scatter [tilespmem:s21], [sflag:$0xA], $0x4000, $0x38;
	[tilespmem:$0x15C00] =	vst v63  }
.Ltmp3:
0x56: {  	(pc) =	sbr.rel .LBB2_2-.Ltmp3, $4  }
0x57: {  	_ =	swait.ge [sflag:s28], $0x4000  }
0x58: {  	s5 =	sadd.s32 $0x380, s9;
	[sflag:s28] =	ssyncset.done $0x0  }
0x59: {  	s1 =	sadd.s32 $0xA00, s1;
	s8 =	sadd.s32 $0x50000, s8;
	[sflag:s28] =	ssyncadd.s32 $0xFFFFC000  }
0x5a: {  	[tilespmem:s17], [sflag:$0x3] =	stream.indirect.gather [hbm4b:s2+s13], $0x80, s5, s13, $0xb8;
	[tilespmem:$0x15C00] =	vst v63  }
.LBB2_5:
0x5b: {  	_ =	sfence.sel $0x180000  }
0x5c: {  	[bflag:$0x0] =	sbarrier.arrive $0xFFFF  }
0x5d: {  	_ =	strace $0x90000047  }
0x5e: {  	s0 =	stileid.u32;
	[bflag:$0x2] =	sbarrier.arrive $0xFFFF  }
0x5f: {  	p0 =	sne.s32 s0, $0x0;
	s0 =	rddreg [dreg:$0x3]  }
0x60: {  	s0 =	sadd.s32 @!p0 $0x100000, s0  }
0x61: {  	[sflag:s0] =	ssyncadd.tile.s32 @!p0 $0x1;
	_ =	shalt  }
.Lfunc_end2:
_tile_overlayer_lowered:
.L_overlay_start_2:
0x62: {  	(tag) =	ssettag $0x2  }
0x63: {  	s0 =	rddreg [dreg:$0x0];
	s2 =	stileid.u32  }
0x64: {  	s1 =	rddreg [dreg:$0x1];
	p0 =	sne.s32 s2, $0x0  }
0x65: {  	s3 =	rddreg [dreg:$0x2];
	[bflag:$0x3] =	sbarrier.arrive $0xFFFF;
	s2 =	simm.s32 @!p0 $0x1C0B  }
0x66: {  	[timem:s3], [sflag:s2] =	dma.local @!p0 [hbm:s0], s1  }
0x67: {  	s0 =	simm.s32 @!p0 $0xB  }
0x68: {  	_ =	swait.ge @!p0 [sflag:s0], s1  }
0x69: {  	s1 =	ssub.s32 @!p0 $0x0, s1;
	[sflag:s0] =	ssyncset.done @!p0 $0x0  }
0x6a: {  	[sflag:s0] =	ssyncadd.s32 @!p0 s1  }
0x6b: {  	[bflag:$0x3] =	sbarrier.arrive $0xFFFF  }
0x6c: {  	_ =	shalt  }

</sc_bundles>
